<compile_context>
chip_gen: v7x
topology: tpu7x:2x2x1
jax: 0.10.2.dev20260603
libtpu: 0.0.44.dev20260713+nightly
codegen_flags: <defaults>
</compile_context>

<pallas_src>
import functools

import jax
import jax.numpy as jnp
from jax import lax
from jax.experimental import pallas as pl
from jax.experimental.pallas import tpu as pltpu
from jax.experimental.pallas import tpu_sc as plsc

B = 16384
DU = 64
DI = 32
EPS = 1e-06

NC = 2
NS = 16
NW = NC * NS
BPW = B // NW
CH = 128
NCH = BPW // CH


def _gather_body(users2, items2, gu_tab, gi_tab, gu_out, gi_out,
                 uidx, iidx, urows, irows, sem):
    wid = lax.axis_index("s") * NC + lax.axis_index("c")
    base = wid * BPW
    pltpu.sync_copy(users2.at[pl.ds(wid * NCH, NCH)], uidx)
    pltpu.sync_copy(items2.at[pl.ds(wid * NCH, NCH)], iidx)
    copies = []
    for j in range(NCH):
        copies.append(pltpu.async_copy(
            gu_tab.at[uidx.at[j]], urows.at[pl.ds(j * CH, CH)], sem))
        copies.append(pltpu.async_copy(
            gi_tab.at[iidx.at[j]], irows.at[pl.ds(j * CH, CH)], sem))
    for c in copies:
        c.wait()
    pltpu.sync_copy(urows, gu_out.at[pl.ds(base, BPW)])
    pltpu.sync_copy(irows, gi_out.at[pl.ds(base, BPW)])


_sc_gather = functools.partial(
    pl.kernel,
    mesh=plsc.VectorSubcoreMesh(core_axis_name="c", subcore_axis_name="s"),
    out_type=[
        jax.ShapeDtypeStruct((B, DU), jnp.float32),
        jax.ShapeDtypeStruct((B, DI), jnp.float32),
    ],
    scratch_types=[
        pltpu.VMEM((NCH, CH), jnp.int32),
        pltpu.VMEM((NCH, CH), jnp.int32),
        pltpu.VMEM((BPW, DU), jnp.float32),
        pltpu.VMEM((BPW, DI), jnp.float32),
        pltpu.SemaphoreType.DMA,
    ],
    compiler_params=pltpu.CompilerParams(
        use_tc_tiling_on_sc=False, skip_device_barrier=True),
)(_gather_body)


SBLK = 2048


def _score_body(gu_ref, gi_ref, o_ref):
    gu = gu_ref[...]
    gi = gi_ref[...]
    s0 = jnp.sum(gu[:, :DI] * gi, axis=1)
    s1 = jnp.sum(gu[:, DI:] * gi, axis=1)
    a0 = jax.nn.sigmoid(s0)
    a1 = jax.nn.sigmoid(s1)
    sum_log = jnp.log(1.0 - a0 + EPS) + jnp.log(1.0 - a1 + EPS)
    o_ref[...] = 1.0 - (-1.0 / (-1.0 + sum_log))


_score = pl.pallas_call(
    _score_body,
    grid=(B // SBLK,),
    in_specs=[pl.BlockSpec((SBLK, DU), lambda i: (i, 0)),
              pl.BlockSpec((SBLK, DI), lambda i: (i, 0))],
    out_specs=pl.BlockSpec((SBLK,), lambda i: (i,)),
    out_shape=jax.ShapeDtypeStruct((B,), jnp.float32),
    compiler_params=pltpu.CompilerParams(skip_device_barrier=True),
)


def kernel(users, items, Gu, Gi):
    users2 = users.reshape(NW * NCH, CH)
    items2 = items.reshape(NW * NCH, CH)
    gu_flat, gi_rows = _sc_gather(users2, items2, Gu, Gi)
    xui = _score(gu_flat, gi_rows)
    return (xui, gu_flat.reshape(B, 2, DI), gi_rows)

# --- scband reference (transcript-rebuilt; emitter-appended) ---
"""Pipeline reference for scband-rbrsmodel-47390669144722 (READ-ONLY COPY).

The authoritative reference and input builder live on the scoring server;
editing this copy changes nothing except your own understanding.
"""

import jax, jax.numpy as jnp
import numpy as np

NUM_USERS = 1000000
NUM_ITEMS = 100000
EMBED_K = 32
N_RULES = 2
EPS = 1e-06
BATCH = 16384


def setup_inputs(seed: int = 0) -> dict:
    key = jax.random.key(seed)
    k1, k2, k3, k4 = jax.random.split(key, 4)
    users = jax.random.randint(k1, (BATCH,), 0, NUM_USERS, dtype=jnp.int64 if jax.config.jax_enable_x64 else jnp.int32).astype(jnp.int32)
    items = jax.random.randint(k2, (BATCH,), 0, NUM_ITEMS).astype(jnp.int32)
    # xavier_uniform init like torch.nn.init.xavier_uniform_
    bu = float(np.sqrt(6.0 / (NUM_USERS + N_RULES * EMBED_K)))
    Gu = jax.random.uniform(k3, (NUM_USERS, N_RULES * EMBED_K), minval=-bu, maxval=bu, dtype=jnp.float32)
    bi = float(np.sqrt(6.0 / (NUM_ITEMS + EMBED_K)))
    Gi = jax.random.uniform(k4, (NUM_ITEMS, EMBED_K), minval=-bi, maxval=bi, dtype=jnp.float32)
    return {"users": users, "items": items, "Gu": Gu, "Gi": Gi}


def disjunction_rule(and_rules):
    expr = 1.0 - and_rules + EPS
    log_expr = jnp.log(expr)
    sum_log_expr = jnp.sum(log_expr, axis=1)
    return 1.0 - (-1.0 / (-1.0 + sum_log_expr))


def reference(users, items, Gu, Gi):
    batch_size = users.shape[0]
    # embedding lookups (gathers)
    gu = jnp.take(Gu, users, axis=0).reshape(batch_size, N_RULES, EMBED_K)
    gamma_i = jnp.take(Gi, items, axis=0)
    and_scores = []
    for r in range(N_RULES):
        gamma_u_r = gu[:, r, :]
        score_and = jnp.sum(gamma_u_r * gamma_i, axis=-1)
        and_scores.append(score_and[:, None])
    and_scores_tensor = jax.nn.sigmoid(jnp.concatenate(and_scores, axis=1))
    xui = disjunction_rule(and_scores_tensor)
    return (xui, gu, gamma_i)

if __name__ == "__main__":
    import jax
    _d = setup_inputs()
    print(jax.jit(kernel)(*tuple(_d.values())))

</pallas_src>

<mosaic_0001>
#map = affine_map<(d0, d1) -> (0, 0)>
module attributes {stable_mosaic.version = 14 : i64} {
  func.func @_gather_body(%arg0: i32, %arg1: i32, %arg2: memref<128x128xi32, #tpu.memory_space<hbm>>, %arg3: memref<128x128xi32, #tpu.memory_space<hbm>>, %arg4: memref<1000000x64xf32, #tpu.memory_space<hbm>>, %arg5: memref<100000x32xf32, #tpu.memory_space<hbm>>, %arg6: memref<16384x64xf32, #tpu.memory_space<hbm>>, %arg7: memref<16384x32xf32, #tpu.memory_space<hbm>>, %arg8: memref<4x128xi32, #tpu.memory_space<vmem>>, %arg9: memref<4x128xi32, #tpu.memory_space<vmem>>, %arg10: memref<512x64xf32, #tpu.memory_space<vmem>>, %arg11: memref<512x32xf32, #tpu.memory_space<vmem>>, %arg12: memref<!tpu.dma_semaphore, #tpu.memory_space<semaphore_mem>>) attributes {dimension_semantics = [#tpu.dimension_semantics<core_parallel>, #tpu.dimension_semantics<subcore_parallel>], iteration_bounds = array<i64: 2, 16>, scalar_prefetch = 0 : i64, scratch_operands = 5 : i64, tpu.core_type = #tpu.core_type<sc_vector_subcore>, window_params = [{transform_indices = #map}, {transform_indices = #map}, {transform_indices = #map}, {transform_indices = #map}, {transform_indices = #map}, {transform_indices = #map}]} {
    %mul3A = arith.constant 2 : i32
    %mul3A_0 = arith.muli %arg1, %mul3A : i32
    %add3A = arith.addi %mul3A_0, %arg0 : i32
    %mul3A_1 = arith.constant 512 : i32
    %mul3A_2 = arith.muli %add3A, %mul3A_1 : i32
    %mul3A_3 = arith.constant 4 : i32
    %mul3A_4 = arith.muli %add3A, %mul3A_3 : i32
    "tpu.region"() ({
      %run_scoped3A = tpu.sem_alloc : memref<!tpu.dma_semaphore, #tpu.memory_space<semaphore_mem>>
      %dma_start3A_165 = arith.constant 0 : i32
      %dma_start3A_166 = tpu.memref_slice %arg2[%mul3A_4, %dma_start3A_165] : memref<128x128xi32, #tpu.memory_space<hbm>> -> memref<4x128xi32, #tpu.memory_space<hbm>>
      %dma_start3A_167 = arith.constant 0 : i32
      %dma_start3A_168 = tpu.memref_slice %arg2[%mul3A_4, %dma_start3A_167] : memref<128x128xi32, #tpu.memory_space<hbm>> -> memref<4x128xi32, #tpu.memory_space<hbm>>
      tpu.enqueue_dma source(%dma_start3A_168 : memref<4x128xi32, #tpu.memory_space<hbm>>) target(%arg8 : memref<4x128xi32, #tpu.memory_space<vmem>>) target_semaphore(%run_scoped3A : memref<!tpu.dma_semaphore, #tpu.memory_space<semaphore_mem>>)
      %dma_wait3A_169 = arith.constant 0 : i32
      %dma_wait3A_170 = tpu.memref_slice %arg2[%mul3A_4, %dma_wait3A_169] : memref<128x128xi32, #tpu.memory_space<hbm>> -> memref<4x128xi32, #tpu.memory_space<hbm>>
      %dma_wait3A_171 = arith.constant 0 : i32
      %dma_wait3A_172 = tpu.memref_slice %arg2[%mul3A_4, %dma_wait3A_171] : memref<128x128xi32, #tpu.memory_space<hbm>> -> memref<4x128xi32, #tpu.memory_space<hbm>>
      tpu.wait_dma2 semaphore(%run_scoped3A : memref<!tpu.dma_semaphore, #tpu.memory_space<semaphore_mem>>) src(%dma_wait3A_172 : memref<4x128xi32, #tpu.memory_space<hbm>>) dst(%arg8 : memref<4x128xi32, #tpu.memory_space<vmem>>)
      tpu.yield
    }) : () -> ()
    %mul3A_5 = arith.constant 4 : i32
    %mul3A_6 = arith.muli %add3A, %mul3A_5 : i32
    "tpu.region"() ({
      %run_scoped3A = tpu.sem_alloc : memref<!tpu.dma_semaphore, #tpu.memory_space<semaphore_mem>>
      %dma_start3A_165 = arith.constant 0 : i32
      %dma_start3A_166 = tpu.memref_slice %arg3[%mul3A_6, %dma_start3A_165] : memref<128x128xi32, #tpu.memory_space<hbm>> -> memref<4x128xi32, #tpu.memory_space<hbm>>
      %dma_start3A_167 = arith.constant 0 : i32
      %dma_start3A_168 = tpu.memref_slice %arg3[%mul3A_6, %dma_start3A_167] : memref<128x128xi32, #tpu.memory_space<hbm>> -> memref<4x128xi32, #tpu.memory_space<hbm>>
      tpu.enqueue_dma source(%dma_start3A_168 : memref<4x128xi32, #tpu.memory_space<hbm>>) target(%arg9 : memref<4x128xi32, #tpu.memory_space<vmem>>) target_semaphore(%run_scoped3A : memref<!tpu.dma_semaphore, #tpu.memory_space<semaphore_mem>>)
      %dma_wait3A_169 = arith.constant 0 : i32
      %dma_wait3A_170 = tpu.memref_slice %arg3[%mul3A_6, %dma_wait3A_169] : memref<128x128xi32, #tpu.memory_space<hbm>> -> memref<4x128xi32, #tpu.memory_space<hbm>>
      %dma_wait3A_171 = arith.constant 0 : i32
      %dma_wait3A_172 = tpu.memref_slice %arg3[%mul3A_6, %dma_wait3A_171] : memref<128x128xi32, #tpu.memory_space<hbm>> -> memref<4x128xi32, #tpu.memory_space<hbm>>
      tpu.wait_dma2 semaphore(%run_scoped3A : memref<!tpu.dma_semaphore, #tpu.memory_space<semaphore_mem>>) src(%dma_wait3A_172 : memref<4x128xi32, #tpu.memory_space<hbm>>) dst(%arg9 : memref<4x128xi32, #tpu.memory_space<vmem>>)
      tpu.yield
    }) : () -> ()
    %dma_start3A = arith.constant 0 : i32
    %dma_start3A_7 = arith.constant 0 : i32
    %dma_start3A_8 = arith.constant 0 : i32
    %dma_start3A_9 = tpu.memref_slice %arg10[%dma_start3A_7, %dma_start3A_8] : memref<512x64xf32, #tpu.memory_space<vmem>> -> memref<128x64xf32, #tpu.memory_space<vmem>>
    %dma_start3A_10 = arith.constant 0 : i32
    %dma_start3A_11 = tpu.memref_slice %arg8[%dma_start3A, %dma_start3A_10] : memref<4x128xi32, #tpu.memory_space<vmem>> -> memref<1x128xi32, #tpu.memory_space<vmem>>
    %dma_start3A_12 = tpu.memref_squeeze %dma_start3A_11 : memref<1x128xi32, #tpu.memory_space<vmem>> -> memref<128xi32, #tpu.memory_space<vmem>>
    %dma_start3A_13 = arith.constant 0 : i32
    %dma_start3A_14 = arith.constant 0 : i32
    %dma_start3A_15 = tpu.memref_slice %arg4[%dma_start3A_13, %dma_start3A_14] : memref<1000000x64xf32, #tpu.memory_space<hbm>> -> memref<1000000x64xf32, #tpu.memory_space<hbm>>
    tpu.enqueue_indirect_dma source(%dma_start3A_15 : memref<1000000x64xf32, #tpu.memory_space<hbm>>) target(%dma_start3A_9 : memref<128x64xf32, #tpu.memory_space<vmem>>) offsets(%dma_start3A_12 : memref<128xi32, #tpu.memory_space<vmem>>) semaphore(%arg12 : memref<!tpu.dma_semaphore, #tpu.memory_space<semaphore_mem>>)
    %dma_start3A_16 = arith.constant 0 : i32
    %dma_start3A_17 = arith.constant 0 : i32
    %dma_start3A_18 = arith.constant 0 : i32
    %dma_start3A_19 = tpu.memref_slice %arg11[%dma_start3A_17, %dma_start3A_18] : memref<512x32xf32, #tpu.memory_space<vmem>> -> memref<128x32xf32, #tpu.memory_space<vmem>>
    %dma_start3A_20 = arith.constant 0 : i32
    %dma_start3A_21 = tpu.memref_slice %arg9[%dma_start3A_16, %dma_start3A_20] : memref<4x128xi32, #tpu.memory_space<vmem>> -> memref<1x128xi32, #tpu.memory_space<vmem>>
    %dma_start3A_22 = tpu.memref_squeeze %dma_start3A_21 : memref<1x128xi32, #tpu.memory_space<vmem>> -> memref<128xi32, #tpu.memory_space<vmem>>
    %dma_start3A_23 = arith.constant 0 : i32
    %dma_start3A_24 = arith.constant 0 : i32
    %dma_start3A_25 = tpu.memref_slice %arg5[%dma_start3A_23, %dma_start3A_24] : memref<100000x32xf32, #tpu.memory_space<hbm>> -> memref<100000x32xf32, #tpu.memory_space<hbm>>
    tpu.enqueue_indirect_dma source(%dma_start3A_25 : memref<100000x32xf32, #tpu.memory_space<hbm>>) target(%dma_start3A_19 : memref<128x32xf32, #tpu.memory_space<vmem>>) offsets(%dma_start3A_22 : memref<128xi32, #tpu.memory_space<vmem>>) semaphore(%arg12 : memref<!tpu.dma_semaphore, #tpu.memory_space<semaphore_mem>>)
    %dma_start3A_26 = arith.constant 1 : i32
    %dma_start3A_27 = arith.constant 128 : i32
    %dma_start3A_28 = arith.constant 0 : i32
    %dma_start3A_29 = tpu.memref_slice %arg10[%dma_start3A_27, %dma_start3A_28] : memref<512x64xf32, #tpu.memory_space<vmem>> -> memref<128x64xf32, #tpu.memory_space<vmem>>
    %dma_start3A_30 = arith.constant 0 : i32
    %dma_start3A_31 = tpu.memref_slice %arg8[%dma_start3A_26, %dma_start3A_30] : memref<4x128xi32, #tpu.memory_space<vmem>> -> memref<1x128xi32, #tpu.memory_space<vmem>>
    %dma_start3A_32 = tpu.memref_squeeze %dma_start3A_31 : memref<1x128xi32, #tpu.memory_space<vmem>> -> memref<128xi32, #tpu.memory_space<vmem>>
    %dma_start3A_33 = arith.constant 0 : i32
    %dma_start3A_34 = arith.constant 0 : i32
    %dma_start3A_35 = tpu.memref_slice %arg4[%dma_start3A_33, %dma_start3A_34] : memref<1000000x64xf32, #tpu.memory_space<hbm>> -> memref<1000000x64xf32, #tpu.memory_space<hbm>>
    tpu.enqueue_indirect_dma source(%dma_start3A_35 : memref<1000000x64xf32, #tpu.memory_space<hbm>>) target(%dma_start3A_29 : memref<128x64xf32, #tpu.memory_space<vmem>>) offsets(%dma_start3A_32 : memref<128xi32, #tpu.memory_space<vmem>>) semaphore(%arg12 : memref<!tpu.dma_semaphore, #tpu.memory_space<semaphore_mem>>)
    %dma_start3A_36 = arith.constant 1 : i32
    %dma_start3A_37 = arith.constant 128 : i32
    %dma_start3A_38 = arith.constant 0 : i32
    %dma_start3A_39 = tpu.memref_slice %arg11[%dma_start3A_37, %dma_start3A_38] : memref<512x32xf32, #tpu.memory_space<vmem>> -> memref<128x32xf32, #tpu.memory_space<vmem>>
    %dma_start3A_40 = arith.constant 0 : i32
    %dma_start3A_41 = tpu.memref_slice %arg9[%dma_start3A_36, %dma_start3A_40] : memref<4x128xi32, #tpu.memory_space<vmem>> -> memref<1x128xi32, #tpu.memory_space<vmem>>
    %dma_start3A_42 = tpu.memref_squeeze %dma_start3A_41 : memref<1x128xi32, #tpu.memory_space<vmem>> -> memref<128xi32, #tpu.memory_space<vmem>>
    %dma_start3A_43 = arith.constant 0 : i32
    %dma_start3A_44 = arith.constant 0 : i32
    %dma_start3A_45 = tpu.memref_slice %arg5[%dma_start3A_43, %dma_start3A_44] : memref<100000x32xf32, #tpu.memory_space<hbm>> -> memref<100000x32xf32, #tpu.memory_space<hbm>>
    tpu.enqueue_indirect_dma source(%dma_start3A_45 : memref<100000x32xf32, #tpu.memory_space<hbm>>) target(%dma_start3A_39 : memref<128x32xf32, #tpu.memory_space<vmem>>) offsets(%dma_start3A_42 : memref<128xi32, #tpu.memory_space<vmem>>) semaphore(%arg12 : memref<!tpu.dma_semaphore, #tpu.memory_space<semaphore_mem>>)
    %dma_start3A_46 = arith.constant 2 : i32
    %dma_start3A_47 = arith.constant 256 : i32
    %dma_start3A_48 = arith.constant 0 : i32
    %dma_start3A_49 = tpu.memref_slice %arg10[%dma_start3A_47, %dma_start3A_48] : memref<512x64xf32, #tpu.memory_space<vmem>> -> memref<128x64xf32, #tpu.memory_space<vmem>>
    %dma_start3A_50 = arith.constant 0 : i32
    %dma_start3A_51 = tpu.memref_slice %arg8[%dma_start3A_46, %dma_start3A_50] : memref<4x128xi32, #tpu.memory_space<vmem>> -> memref<1x128xi32, #tpu.memory_space<vmem>>
    %dma_start3A_52 = tpu.memref_squeeze %dma_start3A_51 : memref<1x128xi32, #tpu.memory_space<vmem>> -> memref<128xi32, #tpu.memory_space<vmem>>
    %dma_start3A_53 = arith.constant 0 : i32
    %dma_start3A_54 = arith.constant 0 : i32
    %dma_start3A_55 = tpu.memref_slice %arg4[%dma_start3A_53, %dma_start3A_54] : memref<1000000x64xf32, #tpu.memory_space<hbm>> -> memref<1000000x64xf32, #tpu.memory_space<hbm>>
    tpu.enqueue_indirect_dma source(%dma_start3A_55 : memref<1000000x64xf32, #tpu.memory_space<hbm>>) target(%dma_start3A_49 : memref<128x64xf32, #tpu.memory_space<vmem>>) offsets(%dma_start3A_52 : memref<128xi32, #tpu.memory_space<vmem>>) semaphore(%arg12 : memref<!tpu.dma_semaphore, #tpu.memory_space<semaphore_mem>>)
    %dma_start3A_56 = arith.constant 2 : i32
    %dma_start3A_57 = arith.constant 256 : i32
    %dma_start3A_58 = arith.constant 0 : i32
    %dma_start3A_59 = tpu.memref_slice %arg11[%dma_start3A_57, %dma_start3A_58] : memref<512x32xf32, #tpu.memory_space<vmem>> -> memref<128x32xf32, #tpu.memory_space<vmem>>
    %dma_start3A_60 = arith.constant 0 : i32
    %dma_start3A_61 = tpu.memref_slice %arg9[%dma_start3A_56, %dma_start3A_60] : memref<4x128xi32, #tpu.memory_space<vmem>> -> memref<1x128xi32, #tpu.memory_space<vmem>>
    %dma_start3A_62 = tpu.memref_squeeze %dma_start3A_61 : memref<1x128xi32, #tpu.memory_space<vmem>> -> memref<128xi32, #tpu.memory_space<vmem>>
    %dma_start3A_63 = arith.constant 0 : i32
    %dma_start3A_64 = arith.constant 0 : i32
    %dma_start3A_65 = tpu.memref_slice %arg5[%dma_start3A_63, %dma_start3A_64] : memref<100000x32xf32, #tpu.memory_space<hbm>> -> memref<100000x32xf32, #tpu.memory_space<hbm>>
    tpu.enqueue_indirect_dma source(%dma_start3A_65 : memref<100000x32xf32, #tpu.memory_space<hbm>>) target(%dma_start3A_59 : memref<128x32xf32, #tpu.memory_space<vmem>>) offsets(%dma_start3A_62 : memref<128xi32, #tpu.memory_space<vmem>>) semaphore(%arg12 : memref<!tpu.dma_semaphore, #tpu.memory_space<semaphore_mem>>)
    %dma_start3A_66 = arith.constant 3 : i32
    %dma_start3A_67 = arith.constant 384 : i32
    %dma_start3A_68 = arith.constant 0 : i32
    %dma_start3A_69 = tpu.memref_slice %arg10[%dma_start3A_67, %dma_start3A_68] : memref<512x64xf32, #tpu.memory_space<vmem>> -> memref<128x64xf32, #tpu.memory_space<vmem>>
    %dma_start3A_70 = arith.constant 0 : i32
    %dma_start3A_71 = tpu.memref_slice %arg8[%dma_start3A_66, %dma_start3A_70] : memref<4x128xi32, #tpu.memory_space<vmem>> -> memref<1x128xi32, #tpu.memory_space<vmem>>
    %dma_start3A_72 = tpu.memref_squeeze %dma_start3A_71 : memref<1x128xi32, #tpu.memory_space<vmem>> -> memref<128xi32, #tpu.memory_space<vmem>>
    %dma_start3A_73 = arith.constant 0 : i32
    %dma_start3A_74 = arith.constant 0 : i32
    %dma_start3A_75 = tpu.memref_slice %arg4[%dma_start3A_73, %dma_start3A_74] : memref<1000000x64xf32, #tpu.memory_space<hbm>> -> memref<1000000x64xf32, #tpu.memory_space<hbm>>
    tpu.enqueue_indirect_dma source(%dma_start3A_75 : memref<1000000x64xf32, #tpu.memory_space<hbm>>) target(%dma_start3A_69 : memref<128x64xf32, #tpu.memory_space<vmem>>) offsets(%dma_start3A_72 : memref<128xi32, #tpu.memory_space<vmem>>) semaphore(%arg12 : memref<!tpu.dma_semaphore, #tpu.memory_space<semaphore_mem>>)
    %dma_start3A_76 = arith.constant 3 : i32
    %dma_start3A_77 = arith.constant 384 : i32
    %dma_start3A_78 = arith.constant 0 : i32
    %dma_start3A_79 = tpu.memref_slice %arg11[%dma_start3A_77, %dma_start3A_78] : memref<512x32xf32, #tpu.memory_space<vmem>> -> memref<128x32xf32, #tpu.memory_space<vmem>>
    %dma_start3A_80 = arith.constant 0 : i32
    %dma_start3A_81 = tpu.memref_slice %arg9[%dma_start3A_76, %dma_start3A_80] : memref<4x128xi32, #tpu.memory_space<vmem>> -> memref<1x128xi32, #tpu.memory_space<vmem>>
    %dma_start3A_82 = tpu.memref_squeeze %dma_start3A_81 : memref<1x128xi32, #tpu.memory_space<vmem>> -> memref<128xi32, #tpu.memory_space<vmem>>
    %dma_start3A_83 = arith.constant 0 : i32
    %dma_start3A_84 = arith.constant 0 : i32
    %dma_start3A_85 = tpu.memref_slice %arg5[%dma_start3A_83, %dma_start3A_84] : memref<100000x32xf32, #tpu.memory_space<hbm>> -> memref<100000x32xf32, #tpu.memory_space<hbm>>
    tpu.enqueue_indirect_dma source(%dma_start3A_85 : memref<100000x32xf32, #tpu.memory_space<hbm>>) target(%dma_start3A_79 : memref<128x32xf32, #tpu.memory_space<vmem>>) offsets(%dma_start3A_82 : memref<128xi32, #tpu.memory_space<vmem>>) semaphore(%arg12 : memref<!tpu.dma_semaphore, #tpu.memory_space<semaphore_mem>>)
    %dma_wait3A = arith.constant 0 : i32
    %dma_wait3A_86 = arith.constant 0 : i32
    %dma_wait3A_87 = arith.constant 0 : i32
    %dma_wait3A_88 = tpu.memref_slice %arg10[%dma_wait3A_86, %dma_wait3A_87] : memref<512x64xf32, #tpu.memory_space<vmem>> -> memref<128x64xf32, #tpu.memory_space<vmem>>
    %dma_wait3A_89 = arith.constant 0 : i32
    %dma_wait3A_90 = tpu.memref_slice %arg8[%dma_wait3A, %dma_wait3A_89] : memref<4x128xi32, #tpu.memory_space<vmem>> -> memref<1x128xi32, #tpu.memory_space<vmem>>
    %dma_wait3A_91 = tpu.memref_squeeze %dma_wait3A_90 : memref<1x128xi32, #tpu.memory_space<vmem>> -> memref<128xi32, #tpu.memory_space<vmem>>
    %dma_wait3A_92 = arith.constant 0 : i32
    %dma_wait3A_93 = arith.constant 0 : i32
    %dma_wait3A_94 = tpu.memref_slice %arg4[%dma_wait3A_92, %dma_wait3A_93] : memref<1000000x64xf32, #tpu.memory_space<hbm>> -> memref<1000000x64xf32, #tpu.memory_space<hbm>>
    tpu.wait_indirect_dma semaphore(%arg12 : memref<!tpu.dma_semaphore, #tpu.memory_space<semaphore_mem>>) src(%dma_wait3A_94 : memref<1000000x64xf32, #tpu.memory_space<hbm>>) dst(%dma_wait3A_88 : memref<128x64xf32, #tpu.memory_space<vmem>>)
    %dma_wait3A_95 = arith.constant 0 : i32
    %dma_wait3A_96 = arith.constant 0 : i32
    %dma_wait3A_97 = arith.constant 0 : i32
    %dma_wait3A_98 = tpu.memref_slice %arg11[%dma_wait3A_96, %dma_wait3A_97] : memref<512x32xf32, #tpu.memory_space<vmem>> -> memref<128x32xf32, #tpu.memory_space<vmem>>
    %dma_wait3A_99 = arith.constant 0 : i32
    %dma_wait3A_100 = tpu.memref_slice %arg9[%dma_wait3A_95, %dma_wait3A_99] : memref<4x128xi32, #tpu.memory_space<vmem>> -> memref<1x128xi32, #tpu.memory_space<vmem>>
    %dma_wait3A_101 = tpu.memref_squeeze %dma_wait3A_100 : memref<1x128xi32, #tpu.memory_space<vmem>> -> memref<128xi32, #tpu.memory_space<vmem>>
    %dma_wait3A_102 = arith.constant 0 : i32
    %dma_wait3A_103 = arith.constant 0 : i32
    %dma_wait3A_104 = tpu.memref_slice %arg5[%dma_wait3A_102, %dma_wait3A_103] : memref<100000x32xf32, #tpu.memory_space<hbm>> -> memref<100000x32xf32, #tpu.memory_space<hbm>>
    tpu.wait_indirect_dma semaphore(%arg12 : memref<!tpu.dma_semaphore, #tpu.memory_space<semaphore_mem>>) src(%dma_wait3A_104 : memref<100000x32xf32, #tpu.memory_space<hbm>>) dst(%dma_wait3A_98 : memref<128x32xf32, #tpu.memory_space<vmem>>)
    %dma_wait3A_105 = arith.constant 1 : i32
    %dma_wait3A_106 = arith.constant 128 : i32
    %dma_wait3A_107 = arith.constant 0 : i32
    %dma_wait3A_108 = tpu.memref_slice %arg10[%dma_wait3A_106, %dma_wait3A_107] : memref<512x64xf32, #tpu.memory_space<vmem>> -> memref<128x64xf32, #tpu.memory_space<vmem>>
    %dma_wait3A_109 = arith.constant 0 : i32
    %dma_wait3A_110 = tpu.memref_slice %arg8[%dma_wait3A_105, %dma_wait3A_109] : memref<4x128xi32, #tpu.memory_space<vmem>> -> memref<1x128xi32, #tpu.memory_space<vmem>>
    %dma_wait3A_111 = tpu.memref_squeeze %dma_wait3A_110 : memref<1x128xi32, #tpu.memory_space<vmem>> -> memref<128xi32, #tpu.memory_space<vmem>>
    %dma_wait3A_112 = arith.constant 0 : i32
    %dma_wait3A_113 = arith.constant 0 : i32
    %dma_wait3A_114 = tpu.memref_slice %arg4[%dma_wait3A_112, %dma_wait3A_113] : memref<1000000x64xf32, #tpu.memory_space<hbm>> -> memref<1000000x64xf32, #tpu.memory_space<hbm>>
    tpu.wait_indirect_dma semaphore(%arg12 : memref<!tpu.dma_semaphore, #tpu.memory_space<semaphore_mem>>) src(%dma_wait3A_114 : memref<1000000x64xf32, #tpu.memory_space<hbm>>) dst(%dma_wait3A_108 : memref<128x64xf32, #tpu.memory_space<vmem>>)
    %dma_wait3A_115 = arith.constant 1 : i32
    %dma_wait3A_116 = arith.constant 128 : i32
    %dma_wait3A_117 = arith.constant 0 : i32
    %dma_wait3A_118 = tpu.memref_slice %arg11[%dma_wait3A_116, %dma_wait3A_117] : memref<512x32xf32, #tpu.memory_space<vmem>> -> memref<128x32xf32, #tpu.memory_space<vmem>>
    %dma_wait3A_119 = arith.constant 0 : i32
    %dma_wait3A_120 = tpu.memref_slice %arg9[%dma_wait3A_115, %dma_wait3A_119] : memref<4x128xi32, #tpu.memory_space<vmem>> -> memref<1x128xi32, #tpu.memory_space<vmem>>
    %dma_wait3A_121 = tpu.memref_squeeze %dma_wait3A_120 : memref<1x128xi32, #tpu.memory_space<vmem>> -> memref<128xi32, #tpu.memory_space<vmem>>
    %dma_wait3A_122 = arith.constant 0 : i32
    %dma_wait3A_123 = arith.constant 0 : i32
    %dma_wait3A_124 = tpu.memref_slice %arg5[%dma_wait3A_122, %dma_wait3A_123] : memref<100000x32xf32, #tpu.memory_space<hbm>> -> memref<100000x32xf32, #tpu.memory_space<hbm>>
    tpu.wait_indirect_dma semaphore(%arg12 : memref<!tpu.dma_semaphore, #tpu.memory_space<semaphore_mem>>) src(%dma_wait3A_124 : memref<100000x32xf32, #tpu.memory_space<hbm>>) dst(%dma_wait3A_118 : memref<128x32xf32, #tpu.memory_space<vmem>>)
    %dma_wait3A_125 = arith.constant 2 : i32
    %dma_wait3A_126 = arith.constant 256 : i32
    %dma_wait3A_127 = arith.constant 0 : i32
    %dma_wait3A_128 = tpu.memref_slice %arg10[%dma_wait3A_126, %dma_wait3A_127] : memref<512x64xf32, #tpu.memory_space<vmem>> -> memref<128x64xf32, #tpu.memory_space<vmem>>
    %dma_wait3A_129 = arith.constant 0 : i32
    %dma_wait3A_130 = tpu.memref_slice %arg8[%dma_wait3A_125, %dma_wait3A_129] : memref<4x128xi32, #tpu.memory_space<vmem>> -> memref<1x128xi32, #tpu.memory_space<vmem>>
    %dma_wait3A_131 = tpu.memref_squeeze %dma_wait3A_130 : memref<1x128xi32, #tpu.memory_space<vmem>> -> memref<128xi32, #tpu.memory_space<vmem>>
    %dma_wait3A_132 = arith.constant 0 : i32
    %dma_wait3A_133 = arith.constant 0 : i32
    %dma_wait3A_134 = tpu.memref_slice %arg4[%dma_wait3A_132, %dma_wait3A_133] : memref<1000000x64xf32, #tpu.memory_space<hbm>> -> memref<1000000x64xf32, #tpu.memory_space<hbm>>
    tpu.wait_indirect_dma semaphore(%arg12 : memref<!tpu.dma_semaphore, #tpu.memory_space<semaphore_mem>>) src(%dma_wait3A_134 : memref<1000000x64xf32, #tpu.memory_space<hbm>>) dst(%dma_wait3A_128 : memref<128x64xf32, #tpu.memory_space<vmem>>)
    %dma_wait3A_135 = arith.constant 2 : i32
    %dma_wait3A_136 = arith.constant 256 : i32
    %dma_wait3A_137 = arith.constant 0 : i32
    %dma_wait3A_138 = tpu.memref_slice %arg11[%dma_wait3A_136, %dma_wait3A_137] : memref<512x32xf32, #tpu.memory_space<vmem>> -> memref<128x32xf32, #tpu.memory_space<vmem>>
    %dma_wait3A_139 = arith.constant 0 : i32
    %dma_wait3A_140 = tpu.memref_slice %arg9[%dma_wait3A_135, %dma_wait3A_139] : memref<4x128xi32, #tpu.memory_space<vmem>> -> memref<1x128xi32, #tpu.memory_space<vmem>>
    %dma_wait3A_141 = tpu.memref_squeeze %dma_wait3A_140 : memref<1x128xi32, #tpu.memory_space<vmem>> -> memref<128xi32, #tpu.memory_space<vmem>>
    %dma_wait3A_142 = arith.constant 0 : i32
    %dma_wait3A_143 = arith.constant 0 : i32
    %dma_wait3A_144 = tpu.memref_slice %arg5[%dma_wait3A_142, %dma_wait3A_143] : memref<100000x32xf32, #tpu.memory_space<hbm>> -> memref<100000x32xf32, #tpu.memory_space<hbm>>
    tpu.wait_indirect_dma semaphore(%arg12 : memref<!tpu.dma_semaphore, #tpu.memory_space<semaphore_mem>>) src(%dma_wait3A_144 : memref<100000x32xf32, #tpu.memory_space<hbm>>) dst(%dma_wait3A_138 : memref<128x32xf32, #tpu.memory_space<vmem>>)
    %dma_wait3A_145 = arith.constant 3 : i32
    %dma_wait3A_146 = arith.constant 384 : i32
    %dma_wait3A_147 = arith.constant 0 : i32
    %dma_wait3A_148 = tpu.memref_slice %arg10[%dma_wait3A_146, %dma_wait3A_147] : memref<512x64xf32, #tpu.memory_space<vmem>> -> memref<128x64xf32, #tpu.memory_space<vmem>>
    %dma_wait3A_149 = arith.constant 0 : i32
    %dma_wait3A_150 = tpu.memref_slice %arg8[%dma_wait3A_145, %dma_wait3A_149] : memref<4x128xi32, #tpu.memory_space<vmem>> -> memref<1x128xi32, #tpu.memory_space<vmem>>
    %dma_wait3A_151 = tpu.memref_squeeze %dma_wait3A_150 : memref<1x128xi32, #tpu.memory_space<vmem>> -> memref<128xi32, #tpu.memory_space<vmem>>
    %dma_wait3A_152 = arith.constant 0 : i32
    %dma_wait3A_153 = arith.constant 0 : i32
    %dma_wait3A_154 = tpu.memref_slice %arg4[%dma_wait3A_152, %dma_wait3A_153] : memref<1000000x64xf32, #tpu.memory_space<hbm>> -> memref<1000000x64xf32, #tpu.memory_space<hbm>>
    tpu.wait_indirect_dma semaphore(%arg12 : memref<!tpu.dma_semaphore, #tpu.memory_space<semaphore_mem>>) src(%dma_wait3A_154 : memref<1000000x64xf32, #tpu.memory_space<hbm>>) dst(%dma_wait3A_148 : memref<128x64xf32, #tpu.memory_space<vmem>>)
    %dma_wait3A_155 = arith.constant 3 : i32
    %dma_wait3A_156 = arith.constant 384 : i32
    %dma_wait3A_157 = arith.constant 0 : i32
    %dma_wait3A_158 = tpu.memref_slice %arg11[%dma_wait3A_156, %dma_wait3A_157] : memref<512x32xf32, #tpu.memory_space<vmem>> -> memref<128x32xf32, #tpu.memory_space<vmem>>
    %dma_wait3A_159 = arith.constant 0 : i32
    %dma_wait3A_160 = tpu.memref_slice %arg9[%dma_wait3A_155, %dma_wait3A_159] : memref<4x128xi32, #tpu.memory_space<vmem>> -> memref<1x128xi32, #tpu.memory_space<vmem>>
    %dma_wait3A_161 = tpu.memref_squeeze %dma_wait3A_160 : memref<1x128xi32, #tpu.memory_space<vmem>> -> memref<128xi32, #tpu.memory_space<vmem>>
    %dma_wait3A_162 = arith.constant 0 : i32
    %dma_wait3A_163 = arith.constant 0 : i32
    %dma_wait3A_164 = tpu.memref_slice %arg5[%dma_wait3A_162, %dma_wait3A_163] : memref<100000x32xf32, #tpu.memory_space<hbm>> -> memref<100000x32xf32, #tpu.memory_space<hbm>>
    tpu.wait_indirect_dma semaphore(%arg12 : memref<!tpu.dma_semaphore, #tpu.memory_space<semaphore_mem>>) src(%dma_wait3A_164 : memref<100000x32xf32, #tpu.memory_space<hbm>>) dst(%dma_wait3A_158 : memref<128x32xf32, #tpu.memory_space<vmem>>)
    "tpu.region"() ({
      %run_scoped3A = tpu.sem_alloc : memref<!tpu.dma_semaphore, #tpu.memory_space<semaphore_mem>>
      %dma_start3A_165 = arith.constant 0 : i32
      %dma_start3A_166 = tpu.memref_slice %arg6[%mul3A_2, %dma_start3A_165] : memref<16384x64xf32, #tpu.memory_space<hbm>> -> memref<512x64xf32, #tpu.memory_space<hbm>>
      %dma_start3A_167 = arith.constant 0 : i32
      %dma_start3A_168 = tpu.memref_slice %arg6[%mul3A_2, %dma_start3A_167] : memref<16384x64xf32, #tpu.memory_space<hbm>> -> memref<512x64xf32, #tpu.memory_space<hbm>>
      tpu.enqueue_dma source(%arg10 : memref<512x64xf32, #tpu.memory_space<vmem>>) target(%dma_start3A_168 : memref<512x64xf32, #tpu.memory_space<hbm>>) target_semaphore(%run_scoped3A : memref<!tpu.dma_semaphore, #tpu.memory_space<semaphore_mem>>)
      %dma_wait3A_169 = arith.constant 0 : i32
      %dma_wait3A_170 = tpu.memref_slice %arg6[%mul3A_2, %dma_wait3A_169] : memref<16384x64xf32, #tpu.memory_space<hbm>> -> memref<512x64xf32, #tpu.memory_space<hbm>>
      %dma_wait3A_171 = arith.constant 0 : i32
      %dma_wait3A_172 = tpu.memref_slice %arg6[%mul3A_2, %dma_wait3A_171] : memref<16384x64xf32, #tpu.memory_space<hbm>> -> memref<512x64xf32, #tpu.memory_space<hbm>>
      tpu.wait_dma2 semaphore(%run_scoped3A : memref<!tpu.dma_semaphore, #tpu.memory_space<semaphore_mem>>) src(%arg10 : memref<512x64xf32, #tpu.memory_space<vmem>>) dst(%dma_wait3A_172 : memref<512x64xf32, #tpu.memory_space<hbm>>)
      tpu.yield
    }) : () -> ()
    "tpu.region"() ({
      %run_scoped3A = tpu.sem_alloc : memref<!tpu.dma_semaphore, #tpu.memory_space<semaphore_mem>>
      %dma_start3A_165 = arith.constant 0 : i32
      %dma_start3A_166 = tpu.memref_slice %arg7[%mul3A_2, %dma_start3A_165] : memref<16384x32xf32, #tpu.memory_space<hbm>> -> memref<512x32xf32, #tpu.memory_space<hbm>>
      %dma_start3A_167 = arith.constant 0 : i32
      %dma_start3A_168 = tpu.memref_slice %arg7[%mul3A_2, %dma_start3A_167] : memref<16384x32xf32, #tpu.memory_space<hbm>> -> memref<512x32xf32, #tpu.memory_space<hbm>>
      tpu.enqueue_dma source(%arg11 : memref<512x32xf32, #tpu.memory_space<vmem>>) target(%dma_start3A_168 : memref<512x32xf32, #tpu.memory_space<hbm>>) target_semaphore(%run_scoped3A : memref<!tpu.dma_semaphore, #tpu.memory_space<semaphore_mem>>)
      %dma_wait3A_169 = arith.constant 0 : i32
      %dma_wait3A_170 = tpu.memref_slice %arg7[%mul3A_2, %dma_wait3A_169] : memref<16384x32xf32, #tpu.memory_space<hbm>> -> memref<512x32xf32, #tpu.memory_space<hbm>>
      %dma_wait3A_171 = arith.constant 0 : i32
      %dma_wait3A_172 = tpu.memref_slice %arg7[%mul3A_2, %dma_wait3A_171] : memref<16384x32xf32, #tpu.memory_space<hbm>> -> memref<512x32xf32, #tpu.memory_space<hbm>>
      tpu.wait_dma2 semaphore(%run_scoped3A : memref<!tpu.dma_semaphore, #tpu.memory_space<semaphore_mem>>) src(%arg11 : memref<512x32xf32, #tpu.memory_space<vmem>>) dst(%dma_wait3A_172 : memref<512x32xf32, #tpu.memory_space<hbm>>)
      tpu.yield
    }) : () -> ()
    return
  }
}

module attributes {stable_mosaic.version = 14 : i64} {
  func.func @_score_body(%arg0: i32, %arg1: memref<2048x64xf32, #tpu.memory_space<vmem>>, %arg2: memref<2048x32xf32, #tpu.memory_space<vmem>>, %arg3: memref<2048xf32, #tpu.memory_space<vmem>>) attributes {dimension_semantics = [#tpu.dimension_semantics<arbitrary>], iteration_bounds = array<i64: 8>, scalar_prefetch = 0 : i64, scratch_operands = 0 : i64, tpu.core_type = #tpu.core_type<tc>, window_params = [{transform_indices = @transform_0, window_bounds = array<i64: 2048, 64>}, {transform_indices = @transform_1, window_bounds = array<i64: 2048, 32>}, {transform_indices = @transform_2, window_bounds = array<i64: 2048>}]} {
    %get3A = arith.constant 0 : index
    %get3A_0 = arith.constant 0 : index
    %get3A_1 = vector.load %arg1[%get3A, %get3A_0] : memref<2048x64xf32, #tpu.memory_space<vmem>>, vector<2048x64xf32>
    %get3A_2 = arith.constant 0 : index
    %get3A_3 = arith.constant 0 : index
    %get3A_4 = vector.load %arg2[%get3A_2, %get3A_3] : memref<2048x32xf32, #tpu.memory_space<vmem>>, vector<2048x32xf32>
    %slice3A = vector.extract_strided_slice %get3A_1 {offsets = [0, 0], sizes = [2048, 32], strides = [1, 1]} : vector<2048x64xf32> to vector<2048x32xf32>
    %mul3A = arith.mulf %slice3A, %get3A_4 : vector<2048x32xf32>
    %reduce_sum3A = arith.constant dense<0.000000e+00> : vector<2048xf32>
    %reduce_sum3A_5 = vector.multi_reduction <add>, %mul3A, %reduce_sum3A [1] : vector<2048x32xf32> to vector<2048xf32>
    %slice3A_6 = vector.extract_strided_slice %get3A_1 {offsets = [0, 32], sizes = [2048, 32], strides = [1, 1]} : vector<2048x64xf32> to vector<2048x32xf32>
    %mul3A_7 = arith.mulf %slice3A_6, %get3A_4 : vector<2048x32xf32>
    %reduce_sum3A_8 = arith.constant dense<0.000000e+00> : vector<2048xf32>
    %reduce_sum3A_9 = vector.multi_reduction <add>, %mul3A_7, %reduce_sum3A_8 [1] : vector<2048x32xf32> to vector<2048xf32>
    %logistic3A = arith.negf %reduce_sum3A_5 : vector<2048xf32>
    %logistic3A_10 = math.exp %logistic3A : vector<2048xf32>
    %logistic3A_11 = arith.constant 1.000000e+00 : f32
    %logistic3A_12 = vector.broadcast %logistic3A_11 : f32 to vector<2048xf32>
    %logistic3A_13 = arith.addf %logistic3A_12, %logistic3A_10 : vector<2048xf32>
    %logistic3A_14 = arith.divf %logistic3A_12, %logistic3A_13 : vector<2048xf32>
    %logistic3A_15 = arith.negf %reduce_sum3A_9 : vector<2048xf32>
    %logistic3A_16 = math.exp %logistic3A_15 : vector<2048xf32>
    %logistic3A_17 = arith.constant 1.000000e+00 : f32
    %logistic3A_18 = vector.broadcast %logistic3A_17 : f32 to vector<2048xf32>
    %logistic3A_19 = arith.addf %logistic3A_18, %logistic3A_16 : vector<2048xf32>
    %logistic3A_20 = arith.divf %logistic3A_18, %logistic3A_19 : vector<2048xf32>
    %sub3A = arith.constant 1.000000e+00 : f32
    %sub3A_21 = vector.broadcast %sub3A : f32 to vector<2048xf32>
    %sub3A_22 = arith.subf %sub3A_21, %logistic3A_14 : vector<2048xf32>
    %add3A = arith.constant 9.99999997E-7 : f32
    %add3A_23 = vector.broadcast %add3A : f32 to vector<2048xf32>
    %add3A_24 = arith.addf %sub3A_22, %add3A_23 : vector<2048xf32>
    %log3A = math.log %add3A_24 : vector<2048xf32>
    %sub3A_25 = arith.constant 1.000000e+00 : f32
    %sub3A_26 = vector.broadcast %sub3A_25 : f32 to vector<2048xf32>
    %sub3A_27 = arith.subf %sub3A_26, %logistic3A_20 : vector<2048xf32>
    %add3A_28 = arith.constant 9.99999997E-7 : f32
    %add3A_29 = vector.broadcast %add3A_28 : f32 to vector<2048xf32>
    %add3A_30 = arith.addf %sub3A_27, %add3A_29 : vector<2048xf32>
    %log3A_31 = math.log %add3A_30 : vector<2048xf32>
    %add3A_32 = arith.addf %log3A, %log3A_31 : vector<2048xf32>
    %add3A_33 = arith.constant -1.000000e+00 : f32
    %add3A_34 = vector.broadcast %add3A_33 : f32 to vector<2048xf32>
    %add3A_35 = arith.addf %add3A_34, %add3A_32 : vector<2048xf32>
    %div3A = arith.constant -1.000000e+00 : f32
    %div3A_36 = vector.broadcast %div3A : f32 to vector<2048xf32>
    %div3A_37 = arith.divf %div3A_36, %add3A_35 : vector<2048xf32>
    %sub3A_38 = arith.constant 1.000000e+00 : f32
    %sub3A_39 = vector.broadcast %sub3A_38 : f32 to vector<2048xf32>
    %sub3A_40 = arith.subf %sub3A_39, %div3A_37 : vector<2048xf32>
    %swap3A = arith.constant 0 : index
    %swap3A_41 = vector.load %arg3[%swap3A] : memref<2048xf32, #tpu.memory_space<vmem>>, vector<2048xf32>
    tpu.vector_store %arg3[%swap3A], %sub3A_40 {strides = array<i32>} : memref<2048xf32, #tpu.memory_space<vmem>>, vector<2048xf32>,
    return
  }
  func.func @transform_0(%arg0: i32) -> (i32, i32) {
    %c0_i32 = arith.constant 0 : i32
    %c0_i32_0 = arith.constant 0 : i32
    return %arg0, %c0_i32 : i32, i32
  }
  func.func @transform_1(%arg0: i32) -> (i32, i32) {
    %c0_i32 = arith.constant 0 : i32
    %c0_i32_0 = arith.constant 0 : i32
    return %arg0, %c0_i32 : i32, i32
  }
  func.func @transform_2(%arg0: i32) -> i32 {
    %c0_i32 = arith.constant 0 : i32
    return %arg0 : i32
  }
}

</mosaic_0001>

<sc_bundles>
// kernel: kernel.4.cloned.1.call-start
scs
__scs_entry_jumppad:
0x0: {  	(pc) =	sbr.rel $0x88, $3  }
0x1: {  	(tag) =	ssettag $0x0;
	lr =	simm.s32 $0x1  }
0x2: {  	[smem:$0x3F9D] =	sst lr;
	_ =	strace $0xD0000000  }
0x3: {  	_ = 	snop  }
0x4: {  	_ = 	snop  }
0x5: {  	_ = 	snop  }
0x6: {  	_ = 	snop  }
0x7: {  	_ = 	snop  }
__scs_overlays_trampoline_lowered:
0x8: {  	[smem:$0x3FAC] =	sst s0  }
0x9: {  	[smem:$0x3FAD] =	sst s1  }
0xa: {  	[smem:$0x3FAE] =	sst s2  }
0xb: {  	[smem:$0x3FAF] =	sst s3  }
0xc: {  	[smem:$0x3FB0] =	sst s4  }
0xd: {  	[smem:$0x3FB1] =	sst s5  }
0xe: {  	[smem:$0x3FB2] =	sst s6  }
0xf: {  	[smem:$0x3FB3] =	sst s7  }
0x10: {  	[smem:$0x3FB4] =	sst s8  }
0x11: {  	[smem:$0x3FB5] =	sst s9;
	s0 =	simm.s32 @!p0 $0x0  }
0x12: {  	s1 =	sld [smem:$0x3F9B];
	s0 =	simm.s32 @p0 $0x1  }
0x13: {  	[smem:$0x3FB6] =	sst s0;
	s0 =	simm.s32 @!p1 $0x0  }
0x14: {  	s2 =	sld [smem:$0x3F9A];
	s0 =	simm.s32 @p1 $0x1  }
0x15: {  	[smem:$0x3FB7] =	sst s0;
	s0 =	simm.s32 @!p2 $0x0  }
0x16: {  	s3 =	sld [smem:$0x3FDB];
	s0 =	simm.s32 @p2 $0x1  }
0x17: {  	s4 =	simm.s32 $0x1BF5;
	[smem:$0x3FB9] =	sst s0  }
0x18: {  	s0 =	sld [smem:$0x3F9C];
	_ =	swait.ge [sflag:s4], $0x0  }
0x19: {  	s7 =	sld [smem:$0x3F9D]  }
0x1a: {  	s8 =	sadd.s32 $0xFFFFE003, lr  }
0x1b: {  	s9 =	sadd.s32 $0xFFFFFEF7, lr;
	s5 =	simm.s32 $0xFFFFFFFF;
	p2 =	slt.u32 s8, $0xFFFFF086  }
0x1c: {  	p1 =	slt.u32 s9, $0xF7A;
	s5 =	simm.s32 @!p2 $0x0  }
0x1d: {  	s5 =	simm.s32 @p1 $0x1;
	p0 =	seq.s32 s7, s2  }
0x1e: {  	s7 =	smul.u32 @!p0 $0xF7A, s2;
	p2 =	seq.s32 @!p0 s5, $0x0  }
0x1f: {  	s9 =	smul.u32 $0xF7A, s1;
	s8 =	simm.s32 @!p0 $0x1BF5;
	p2 =	por !p2, p0  }
0x20: {  	[sflag:s8] =	ssyncset.s32 @!p0 $0xFFFFF086;
	s6 =	sadd.s32 @!p0 s3, s7;
	s7 =	simm.s32 @!p0 $0x108  }
0x21: {  	s3 =	sadd.s32 s3, s9;
	s6 =	sadd.s32 @!p0 $0x88, s6;
	s7 =	simm.s32 @p2 $0x1082  }
0x22: {  	[simem:s7], [sflag:s8] =	dma.local @!p0 [hbm:s6], $0xF7A  }
0x23: {  	s9 =	sor.u32 $0xD0000000, s2;
	s6 =	simm.s32 $0x108;
	_ =	swait.ge @!p0 [sflag:s8], $0x0  }
0x24: {  	s3 =	sadd.s32 $0x88, s3;
	s6 =	simm.s32 @!p1 $0x1082;
	[sflag:s4] =	ssyncset.s32 $0xFFFFF086  }
0x25: {  	[simem:s6], [sflag:s4] =	dma.local [hbm:s3], $0xF7A  }
0x26: {  	[smem:$0x3F9D] =	sst s1;
	(tag) =	ssettag s2;
	_ =	strace s9  }
0x27: {  	s1 =	sld [smem:$0x3FAD]  }
0x28: {  	s2 =	sld [smem:$0x3FAE]  }
0x29: {  	s4 =	sld [smem:$0x3FB0]  }
0x2a: {  	p0 =	seq.s32 s5, $0x0;
	s5 =	sld [smem:$0x3FB1]  }
0x2b: {  	s6 =	sld [smem:$0x3FB2]  }
0x2c: {  	s7 =	sld [smem:$0x3FB3]  }
0x2d: {  	s3 =	simm.s32 $0x108;
	s8 =	sld [smem:$0x3FB4]  }
0x2e: {  	s3 =	simm.s32 @!p0 $0x1082;
	s9 =	sld [smem:$0x3FB5]  }
0x2f: {  	lr =	sadd.s32 s0, s3;
	s0 =	sld [smem:$0x3FAC]  }
0x30: {  	s3 =	sld [smem:$0x3FAF]  }
0x31: {  	[smem:$0x3FB8] =	sst s10  }
0x32: {  	s10 =	sld [smem:$0x3FB6];
	_ =	sdelay $0x3  }
0x33: {  	p0 =	seq.s32 s10, $0x1;
	s10 =	sld [smem:$0x3FB8];
	_ =	sdelay $0x3  }
0x34: {  	[smem:$0x3FB8] =	sst s10  }
0x35: {  	s10 =	sld [smem:$0x3FB7];
	_ =	sdelay $0x3  }
0x36: {  	p1 =	seq.s32 s10, $0x1;
	s10 =	sld [smem:$0x3FB8];
	_ =	sdelay $0x3  }
0x37: {  	[smem:$0x3FB8] =	sst s10  }
0x38: {  	s10 =	sld [smem:$0x3FB9]  }
0x39: {  	_ = 	snop;
	(pc) =	sbr.ind lr, $3  }
0x3a: {  	_ = 	snop  }
0x3b: {  	_ = 	snop  }
0x3c: {  	p2 =	seq.s32 s10, $0x1;
	s10 =	sld [smem:$0x3FB8]  }
0x3d: {  	_ =	shalt  }
0x3e: {  	_ =	shalt  }
0x3f: {  	_ =	shalt  }
0x40: {  	_ =	shalt  }
0x41: {  	_ =	shalt  }
0x42: {  	_ =	shalt  }
0x43: {  	_ =	shalt  }
0x44: {  	_ =	shalt  }
0x45: {  	_ =	shalt  }
0x46: {  	_ =	shalt  }
0x47: {  	_ =	shalt  }
0x48: {  	_ =	shalt  }
0x49: {  	_ =	shalt  }
0x4a: {  	_ =	shalt  }
0x4b: {  	_ =	shalt  }
0x4c: {  	_ =	shalt  }
0x4d: {  	_ =	shalt  }
0x4e: {  	_ =	shalt  }
0x4f: {  	_ =	shalt  }
0x50: {  	_ =	shalt  }
0x51: {  	_ =	shalt  }
0x52: {  	_ =	shalt  }
0x53: {  	_ =	shalt  }
0x54: {  	_ =	shalt  }
0x55: {  	_ =	shalt  }
0x56: {  	_ =	shalt  }
0x57: {  	_ =	shalt  }
0x58: {  	_ =	shalt  }
0x59: {  	_ =	shalt  }
0x5a: {  	_ =	shalt  }
0x5b: {  	_ =	shalt  }
0x5c: {  	_ =	shalt  }
0x5d: {  	_ =	shalt  }
0x5e: {  	_ =	shalt  }
0x5f: {  	_ =	shalt  }
0x60: {  	_ =	shalt  }
0x61: {  	_ =	shalt  }
0x62: {  	_ =	shalt  }
0x63: {  	_ =	shalt  }
0x64: {  	_ =	shalt  }
0x65: {  	_ =	shalt  }
0x66: {  	_ =	shalt  }
0x67: {  	_ =	shalt  }
0x68: {  	_ =	shalt  }
0x69: {  	_ =	shalt  }
0x6a: {  	_ =	shalt  }
0x6b: {  	_ =	shalt  }
0x6c: {  	_ =	shalt  }
0x6d: {  	_ =	shalt  }
0x6e: {  	_ =	shalt  }
0x6f: {  	_ =	shalt  }
0x70: {  	_ =	shalt  }
0x71: {  	_ =	shalt  }
0x72: {  	_ =	shalt  }
0x73: {  	_ =	shalt  }
0x74: {  	_ =	shalt  }
0x75: {  	_ =	shalt  }
0x76: {  	_ =	shalt  }
0x77: {  	_ =	shalt  }
0x78: {  	_ =	shalt  }
0x79: {  	_ =	shalt  }
0x7a: {  	_ =	shalt  }
0x7b: {  	_ =	shalt  }
0x7c: {  	_ =	shalt  }
0x7d: {  	_ =	shalt  }
0x7e: {  	_ =	shalt  }
0x7f: {  	_ =	shalt  }
0x80: {  	_ =	shalt  }
0x81: {  	_ =	shalt  }
0x82: {  	_ =	shalt  }
0x83: {  	_ =	shalt  }
0x84: {  	_ =	shalt  }
0x85: {  	_ =	shalt  }
0x86: {  	_ =	shalt  }
0x87: {  	_ =	shalt  }
.Lfunc_end0:
.L_simem_size_0:
called_computation_lowered:
.L_overlay_start_0:
0x88: {  	s2 =	sld [smem:$0x3FD9]  }
0x89: {  	s3 =	sld [smem:$0x3FFE];
	_ =	sdelay $0x1  }
0x8a: {  	s1 =	srdreg.scid  }
0x8b: {  	s0 =	sand.u32 $0x1, s1  }
0x8c: {  	s14 =	sshll.u32 s0, $0xA;
	s2 =	sadd.s32 s3, s2  }
0x8d: {  	s2 =	sadd.s32 s2, s14  }
0x8e: {  	[smem:$0x3FC4] =	sst s2  }
0x8f: {  	_ = 	snop  }
0x90: {  	s2 =	sld [smem:$0x3FD0];
	_ =	sdelay $0x1  }
0x91: {  	s15 =	sld [smem:$0x3FC9]  }
0x92: {  	s5 =	simm.s32 $0xA;
	s6 =	simm.s32 $0x10;
	s4 =	sld [smem:$0x3FC8]  }
0x93: {  	[smem:s6], [sflag:s5] =	dma.local [hbm:s2], $0x1  }
0x94: {  	_ =	swait.eq [sflag:s5], $0x1  }
0x95: {  	[sflag:s5] =	ssyncset.done $0x0  }
0x96: {  	s16 =	sld [smem:$0x11];
	[sflag:s5] =	ssyncadd.s32 $0xFFFFFFFF  }
0x97: {  	s17 =	sld [smem:$0x12];
	(tm) =	ssettm $0x1  }
0x98: {  	s18 =	sld [smem:$0x3FFB];
	_ =	sdelay $0x3  }
0x99: {  	_ =	strace s18  }
0x9a: {  	s6 =	sld [smem:$0x3FFC];
	_ =	sdelay $0x3  }
0x9b: {  	_ =	strace s6  }
0x9c: {  	s6 =	sld [smem:$0x3FFD];
	_ =	sdelay $0x3  }
0x9d: {  	_ =	strace s6  }
0x9e: {  	_ =	strace $0x8FFFFFFF  }
0x9f: {  	s19 =	sld [smem:$0x3FDB];
	_ =	sdelay $0x1  }
0xa0: {  	s7 =	simm.s32 $_scs_section_size  }
0xa1: {  	s8 =	simm.s32 $_size__tile_overlayer_lowered;
	s9 =	simm.s32 $_tile_overlayer_lowered  }
0xa2: {  	s22 =	simm.s32 $0x1BFF;
	s21 =	sshll.u32 s9, $0x1;
	s6 =	sadd.s32 s7, s19  }
0xa3: {  	s10 =	simm.s32 $0x0;
	s20 =	sshll.u32 s8, $0x1;
	s8 =	sadd.s32 s21, s6  }
0xa4: {  	[timem:s10], [sflag:s22] =	dma.local [hbm:s8], s20  }
0xa5: {  	_ =	swait.ge [sflag:s22], s20  }
0xa6: {  	s7 =	ssub.s32 $0x0, s20;
	[sflag:s22] =	ssyncset.done $0x0  }
0xa7: {  	[sflag:s22] =	ssyncadd.s32 s7;
	_ =	sdelay $0x1  }
0xa8: {  	s23 =	simm.s32 $0x1B8B  }
0xa9: {  	_ =	swait.ge [sflag:s23], $0x1  }
0xaa: {  	[sflag:s23] =	ssyncset.done $0x0  }
0xab: {  	s25 =	simm.s32 $0x1B8E;
	s24 =	sld [smem:$0x3FFE];
	[sflag:s23] =	ssyncadd.s32 $0xFFFFFFFF  }
0xac: {  	s26 =	simm.s32 $execute0_lowered;
	[smem:$0x3FD2] =	sst s25  }
0xad: {  	s8 =	sshll.u32 s26, $0x1;
	_ =	strace $0x80000046;
	[dreg:$0x1] =	wrdreg $0xFFFFFFFF  }
0xae: {  	s28 =	simm.s32 $_size_execute0_lowered;
	s6 =	sadd.s32 s6, s8;
	[dreg:$0x0] =	wrdreg $0x0  }
0xaf: {  	s8 =	sshll.u32 s28, $0x1;
	[dreg:$0x2] =	wrdreg s6  }
0xb0: {  	[dreg:$0x3] =	wrdreg s8  }
0xb1: {  	[dreg:$0x4] =	wrdreg $0xC0  }
0xb2: {  	_ =	task [dreg:s10], $0x5FFFF  }
0xb3: {  	[dreg:$0x1] =	wrdreg $0xFFFFFFFF  }
0xb4: {  	[dreg:$0x0] =	wrdreg $0x60  }
0xb5: {  	[dreg:$0x2] =	wrdreg s15  }
0xb6: {  	[dreg:$0x3] =	wrdreg s4  }
0xb7: {  	[dreg:$0x4] =	wrdreg s24  }
0xb8: {  	[dreg:$0x5] =	wrdreg s16  }
0xb9: {  	[dreg:$0x6] =	wrdreg s17  }
0xba: {  	[dreg:$0x7] =	wrdreg $0x9  }
0xbb: {  	_ =	task.clear_ibuf [dreg:s10], $0x8FFFF;
	_ =	strace $0x90000046  }
0xbc: {  	s29 =	simm.s32 $0x9;
	_ =	strace $0x80000048  }
0xbd: {  	_ =	swait.ge [sflag:s29], $0x1  }
0xbe: {  	[sflag:s29] =	ssyncadd.s32 $0xFFFFFFFF  }
0xbf: {  	_ =	strace $0x90000048  }
0xc0: {  	_ =	sfence  }
0xc1: {  	s30 =	sld [smem:$0x0];
	_ =	sdelay $0x2  }
0xc2: {  	s31 =	sshll.u32 s1, $0xD;
	s1 =	sshrl.u32 s1, $0x2  }
0xc3: {  	s3 =	sand.u32 $0x4000, s31;
	s1 =	sadd.s32 s1, s30  }
0xc4: {  	s0 =	sor.u32 s3, s0;
	s1 =	sshll.u32 s1, $0x11  }
0xc5: {  	s0 =	sor.u32 s1, s0  }
0xc6: {  	s0 =	sadd.s32 $0x8F2B, s0  }
0xc7: {  	[sflag:s0] =	ssyncadd.remote.s32 $0x1  }
0xc8: {  	_ =	sfence.sel $0xFFFF  }
0xc9: {  	[dreg:$0x0] =	wrdreg $0xFFFFFFFF;
	(pc) =	sbr.abs _section_cstart, $3  }
0xca: {  	[dreg:$0x1] =	wrdreg $0xFFFFFFFF  }
0xcb: {  	_ =	task.clear_ibuf [dreg:s10], $0x2FFFF;
	_ =	strace $0x9FFFFFFF  }
0xcc: {  	(tm) =	ssettm $0x7FFFFFFF  }
0xcd: {  	_ =	shalt  }
tec
execute0_lowered:
.L_overlay_start_1:
0x0: {  	(tag) =	ssettag $0x1  }
0x1: {  	s3 =	rddreg [dreg:$0x0]  }
0x2: {  	s5 =	rddreg [dreg:$0x1]  }
0x3: {  	s10 =	rddreg [dreg:$0x2]  }
0x4: {  	s24 =	rddreg [dreg:$0x3]  }
0x5: {  	s1 =	srdreg.scid;
	s0 =	stileid.u32  }
0x6: {  	s25 =	rddreg [dreg:$0x4];
	s28 =	sand.u32 $0x1, s1;
	s4 =	sshll.u32 s0, $0x1  }
0x7: {  	s2 =	simm.s32 $0x0;
	s1 =	rddreg [dreg:$0x5];
	s26 =	sor.u32 s28, s4  }
0x8: {  	[smem:$0x7FF] =	sst s2;
	s6 =	sshll.u32 s26, $0x6  }
0x9: {  	_ =	strace $0x80000047;
	s4 =	sadd.s32 s3, s6;
	s3 =	simm.s32 $0x2  }
0xa: {  	[tilespmem:s2], [sflag:$0x2] =	stream.linear.gather [hbm4b:s4+s2], $0x200, $0x38;
	[tilespmem:$0xC400] =	vst v63  }
0xb: {  	_ =	swait.ge [sflag:s3], $0x200  }
0xc: {  	[sflag:s3] =	ssyncset.done $0x0  }
0xd: {  	s5 =	sadd.s32 s5, s6;
	s6 =	simm.s32 $0x200;
	[sflag:s3] =	ssyncadd.s32 $0xFFFFFE00  }
0xe: {  	[tilespmem:s6], [sflag:$0x2] =	stream.linear.gather [hbm4b:s5+s2], $0x200, $0x38;
	[tilespmem:$0xC400] =	vst v63  }
0xf: {  	_ =	swait.ge [sflag:s3], $0x200  }
0x10: {  	s8 =	simm.s32 $0x80;
	[sflag:s3] =	ssyncset.done $0x0  }
0x11: {  	s9 =	simm.s32 $0x400;
	s7 =	sadd.s32 $0xF43000, s10;
	[sflag:s3] =	ssyncadd.s32 $0xFFFFFE00  }
0x12: {  	[tilespmem:s9], [sflag:$0x1] =	stream.indirect.gather [hbm4b:s7+s8], $0x40, s2, s8, $0xb8;
	[tilespmem:$0xC400] =	vst v63  }
0x13: {  	s11 =	simm.s32 $0x8400;
	s10 =	sadd.s32 $0x187600, s10  }
0x14: {  	[tilespmem:s11], [sflag:$0x1] =	stream.indirect.gather [hbm4b:s10+s8], $0x20, s6, s8, $0xb8;
	[tilespmem:$0xC400] =	vst v63  }
0x15: {  	s12 =	simm.s32 $0x2400  }
0x16: {  	[tilespmem:s12], [sflag:$0x1] =	stream.indirect.gather [hbm4b:s7+s8], $0x40, s8, s8, $0xb8;
	[tilespmem:$0xC400] =	vst v63  }
0x17: {  	s13 =	simm.s32 $0x280;
	s14 =	simm.s32 $0x9400  }
0x18: {  	[tilespmem:s14], [sflag:$0x1] =	stream.indirect.gather [hbm4b:s10+s8], $0x20, s13, s8, $0xb8;
	[tilespmem:$0xC400] =	vst v63  }
0x19: {  	s15 =	simm.s32 $0x100;
	s16 =	simm.s32 $0x4400  }
0x1a: {  	[tilespmem:s16], [sflag:$0x1] =	stream.indirect.gather [hbm4b:s7+s8], $0x40, s15, s8, $0xb8;
	[tilespmem:$0xC400] =	vst v63  }
0x1b: {  	s17 =	simm.s32 $0x300;
	s18 =	simm.s32 $0xA400  }
0x1c: {  	[tilespmem:s18], [sflag:$0x1] =	stream.indirect.gather [hbm4b:s10+s8], $0x20, s17, s8, $0xb8;
	[tilespmem:$0xC400] =	vst v63  }
0x1d: {  	s19 =	simm.s32 $0x180;
	s20 =	simm.s32 $0x6400  }
0x1e: {  	[tilespmem:s20], [sflag:$0x1] =	stream.indirect.gather [hbm4b:s7+s8], $0x40, s19, s8, $0xb8;
	[tilespmem:$0xC400] =	vst v63  }
0x1f: {  	s21 =	simm.s32 $0x380;
	s22 =	simm.s32 $0xB400;
	s23 =	simm.s32 $0x1  }
0x20: {  	[tilespmem:s22], [sflag:$0x1] =	stream.indirect.gather [hbm4b:s10+s8], $0x20, s21, s8, $0xb8;
	[tilespmem:$0xC400] =	vst v63  }
0x21: {  	_ =	swait.ge [sflag:s23], $0x2000  }
0x22: {  	[sflag:s23] =	ssyncset.done $0x0  }
0x23: {  	[sflag:s23] =	ssyncadd.s32 $0xFFFFE000  }
0x24: {  	_ =	swait.ge [sflag:s23], $0x1000  }
0x25: {  	[sflag:s23] =	ssyncset.done $0x0  }
0x26: {  	[sflag:s23] =	ssyncadd.s32 $0xFFFFF000  }
0x27: {  	_ =	swait.ge [sflag:s23], $0x2000  }
0x28: {  	[sflag:s23] =	ssyncset.done $0x0  }
0x29: {  	[sflag:s23] =	ssyncadd.s32 $0xFFFFE000  }
0x2a: {  	_ =	swait.ge [sflag:s23], $0x1000  }
0x2b: {  	[sflag:s23] =	ssyncset.done $0x0  }
0x2c: {  	[sflag:s23] =	ssyncadd.s32 $0xFFFFF000  }
0x2d: {  	_ =	swait.ge [sflag:s23], $0x2000  }
0x2e: {  	[sflag:s23] =	ssyncset.done $0x0  }
0x2f: {  	[sflag:s23] =	ssyncadd.s32 $0xFFFFE000  }
0x30: {  	_ =	swait.ge [sflag:s23], $0x1000  }
0x31: {  	[sflag:s23] =	ssyncset.done $0x0  }
0x32: {  	[sflag:s23] =	ssyncadd.s32 $0xFFFFF000  }
0x33: {  	_ =	swait.ge [sflag:s23], $0x2000  }
0x34: {  	[sflag:s23] =	ssyncset.done $0x0  }
0x35: {  	s28 =	ssub.s32 $0x2, s28;
	[sflag:s23] =	ssyncadd.s32 $0xFFFFE000  }
0x36: {  	s30 =	sshrl.u32 s28, $0x1;
	_ =	swait.ge [sflag:s23], $0x1000  }
0x37: {  	s29 =	sshll.u32 s26, $0xC;
	s28 =	ssub.s32 s28, s30;
	[sflag:s23] =	ssyncset.done $0x0  }
0x38: {  	s24 =	sadd.s32 s24, s29;
	s31 =	smax.u32 s28, $0x1;
	[sflag:s23] =	ssyncadd.s32 $0xFFFFF000  }
0x39: {  	[hbm4b:s24+s2] =	stream.linear.scatter [tilespmem:s9], [sflag:$0x2], $0x8000, $0x38;
	[tilespmem:$0xC400] =	vst v63  }
0x3a: {  	p0 =	sne.s32 s31, $0x1;
	_ =	swait.ge [sflag:s3], $0x8000  }
.Ltmp0:
0x3b: {  	s26 =	sshll.u32 s26, $0xB;
	[sflag:s3] =	ssyncset.done $0x0;
	(pc) =	sbr.rel @!p0 .LBB2_2-.Ltmp0, $4  }
0x3c: {  	s25 =	sadd.s32 s25, s26;
	[sflag:s3] =	ssyncadd.s32 $0xFFFF8000  }
0x3d: {  	[hbm4b:s25+s2] =	stream.linear.scatter [tilespmem:s11], [sflag:$0x2], $0x4000, $0x38;
	[tilespmem:$0xC400] =	vst v63  }
0x3e: {  	_ =	swait.ge [sflag:s3], $0x4000  }
0x3f: {  	s26 =	sadd.s32 $0xFFFFFFFF, s31;
	[sflag:s3] =	ssyncset.done $0x0  }
.LBB2_1:
0x40: {  	p0 =	sne.s32 s26, $0x1;
	s26 =	sadd.s32 $0xFFFFFFFF, s26;
	[sflag:s3] =	ssyncadd.s32 $0xFFFFC000  }
0x41: {  	[tilespmem:s2], [sflag:$0x2] =	stream.linear.gather [hbm4b:s4+s2], $0x200, $0x38;
	[tilespmem:$0xC400] =	vst v63  }
0x42: {  	_ =	swait.ge [sflag:s3], $0x200  }
0x43: {  	[sflag:s3] =	ssyncset.done $0x0  }
0x44: {  	[sflag:s3] =	ssyncadd.s32 $0xFFFFFE00  }
0x45: {  	[tilespmem:s6], [sflag:$0x2] =	stream.linear.gather [hbm4b:s5+s2], $0x200, $0x38;
	[tilespmem:$0xC400] =	vst v63  }
0x46: {  	_ =	swait.ge [sflag:s3], $0x200  }
0x47: {  	[sflag:s3] =	ssyncset.done $0x0  }
0x48: {  	[sflag:s3] =	ssyncadd.s32 $0xFFFFFE00  }
0x49: {  	[tilespmem:s9], [sflag:$0x1] =	stream.indirect.gather [hbm4b:s7+s8], $0x40, s2, s8, $0xb8;
	[tilespmem:$0xC400] =	vst v63  }
0x4a: {  	_ = 	snop  }
0x4b: {  	[tilespmem:s11], [sflag:$0x1] =	stream.indirect.gather [hbm4b:s10+s8], $0x20, s6, s8, $0xb8;
	[tilespmem:$0xC400] =	vst v63  }
0x4c: {  	_ = 	snop  }
0x4d: {  	[tilespmem:s12], [sflag:$0x1] =	stream.indirect.gather [hbm4b:s7+s8], $0x40, s8, s8, $0xb8;
	[tilespmem:$0xC400] =	vst v63  }
0x4e: {  	_ = 	snop  }
0x4f: {  	[tilespmem:s14], [sflag:$0x1] =	stream.indirect.gather [hbm4b:s10+s8], $0x20, s13, s8, $0xb8;
	[tilespmem:$0xC400] =	vst v63  }
0x50: {  	_ = 	snop  }
0x51: {  	[tilespmem:s16], [sflag:$0x1] =	stream.indirect.gather [hbm4b:s7+s8], $0x40, s15, s8, $0xb8;
	[tilespmem:$0xC400] =	vst v63  }
0x52: {  	_ = 	snop  }
0x53: {  	[tilespmem:s18], [sflag:$0x1] =	stream.indirect.gather [hbm4b:s10+s8], $0x20, s17, s8, $0xb8;
	[tilespmem:$0xC400] =	vst v63  }
0x54: {  	_ = 	snop  }
0x55: {  	[tilespmem:s20], [sflag:$0x1] =	stream.indirect.gather [hbm4b:s7+s8], $0x40, s19, s8, $0xb8;
	[tilespmem:$0xC400] =	vst v63  }
0x56: {  	_ = 	snop  }
0x57: {  	[tilespmem:s22], [sflag:$0x1] =	stream.indirect.gather [hbm4b:s10+s8], $0x20, s21, s8, $0xb8;
	[tilespmem:$0xC400] =	vst v63  }
0x58: {  	_ =	swait.ge [sflag:s23], $0x2000  }
0x59: {  	[sflag:s23] =	ssyncset.done $0x0  }
0x5a: {  	[sflag:s23] =	ssyncadd.s32 $0xFFFFE000  }
0x5b: {  	_ =	swait.ge [sflag:s23], $0x1000  }
0x5c: {  	[sflag:s23] =	ssyncset.done $0x0  }
0x5d: {  	[sflag:s23] =	ssyncadd.s32 $0xFFFFF000  }
0x5e: {  	_ =	swait.ge [sflag:s23], $0x2000  }
0x5f: {  	[sflag:s23] =	ssyncset.done $0x0  }
0x60: {  	[sflag:s23] =	ssyncadd.s32 $0xFFFFE000  }
0x61: {  	_ =	swait.ge [sflag:s23], $0x1000  }
0x62: {  	[sflag:s23] =	ssyncset.done $0x0  }
0x63: {  	[sflag:s23] =	ssyncadd.s32 $0xFFFFF000  }
0x64: {  	_ =	swait.ge [sflag:s23], $0x2000  }
0x65: {  	[sflag:s23] =	ssyncset.done $0x0  }
0x66: {  	[sflag:s23] =	ssyncadd.s32 $0xFFFFE000  }
0x67: {  	_ =	swait.ge [sflag:s23], $0x1000  }
0x68: {  	[sflag:s23] =	ssyncset.done $0x0  }
0x69: {  	[sflag:s23] =	ssyncadd.s32 $0xFFFFF000  }
0x6a: {  	_ =	swait.ge [sflag:s23], $0x2000  }
0x6b: {  	[sflag:s23] =	ssyncset.done $0x0  }
0x6c: {  	[sflag:s23] =	ssyncadd.s32 $0xFFFFE000  }
0x6d: {  	_ =	swait.ge [sflag:s23], $0x1000  }
0x6e: {  	[sflag:s23] =	ssyncset.done $0x0  }
0x6f: {  	[sflag:s23] =	ssyncadd.s32 $0xFFFFF000  }
0x70: {  	[hbm4b:s24+s2] =	stream.linear.scatter [tilespmem:s9], [sflag:$0x2], $0x8000, $0x38;
	[tilespmem:$0xC400] =	vst v63  }
0x71: {  	_ =	swait.ge [sflag:s3], $0x8000  }
.Ltmp1:
0x72: {  	[sflag:s3] =	ssyncset.done $0x0;
	(pc) =	sbr.rel @p0 .LBB2_1-.Ltmp1, $4  }
0x73: {  	[sflag:s3] =	ssyncadd.s32 $0xFFFF8000  }
0x74: {  	[hbm4b:s25+s2] =	stream.linear.scatter [tilespmem:s11], [sflag:$0x2], $0x4000, $0x38;
	[tilespmem:$0xC400] =	vst v63  }
0x75: {  	_ =	swait.ge [sflag:s3], $0x4000  }
0x76: {  	[sflag:s3] =	ssyncset.done $0x0  }
.LBB2_2:
0x77: {  	[sflag:s3] =	ssyncadd.s32 $0xFFFFC000  }
0x78: {  	_ =	sfence.sel $0x180000  }
0x79: {  	[bflag:$0x0] =	sbarrier.arrive $0xFFFF  }
0x7a: {  	p0 =	sne.s32 s0, $0x0;
	_ =	strace $0x90000047  }
0x7b: {  	s0 =	sadd.s32 @!p0 $0x100000, s1;
	[bflag:$0x2] =	sbarrier.arrive $0xFFFF  }
0x7c: {  	[sflag:s0] =	ssyncadd.tile.s32 @!p0 $0x1;
	_ =	shalt  }
.Lfunc_end2:
_tile_overlayer_lowered:
.L_overlay_start_2:
0x7d: {  	(tag) =	ssettag $0x2  }
0x7e: {  	s0 =	rddreg [dreg:$0x0];
	s2 =	stileid.u32  }
0x7f: {  	s1 =	rddreg [dreg:$0x1];
	p0 =	sne.s32 s2, $0x0  }
0x80: {  	s3 =	rddreg [dreg:$0x2];
	[bflag:$0x3] =	sbarrier.arrive $0xFFFF;
	s2 =	simm.s32 @!p0 $0x1C02  }
0x81: {  	[timem:s3], [sflag:s2] =	dma.local @!p0 [hbm:s0], s1  }
0x82: {  	s0 =	simm.s32 @!p0 $0x2  }
0x83: {  	_ =	swait.ge @!p0 [sflag:s0], s1  }
0x84: {  	s1 =	ssub.s32 @!p0 $0x0, s1;
	[sflag:s0] =	ssyncset.done @!p0 $0x0  }
0x85: {  	[sflag:s0] =	ssyncadd.s32 @!p0 s1  }
0x86: {  	[bflag:$0x3] =	sbarrier.arrive $0xFFFF  }
0x87: {  	_ =	shalt  }

</sc_bundles>
